<compile_context>
chip_gen: v7x
topology: tpu7x:2x2x1
jax: 0.10.2.dev20260603
libtpu: 0.0.44.dev20260713+nightly
codegen_flags: <defaults>
</compile_context>

<pallas_src>
import functools

import jax
import jax.numpy as jnp
from jax import lax
from jax.experimental import pallas as pl
from jax.experimental.pallas import tpu as pltpu
from jax.experimental.pallas import tpu_sc as plsc

_VOCAB = 1_000_000
_D = 64
_BATCH = 4096
_SEQ = 200

_TROWS = 7936
_TBLK = 128
_GRID = _TROWS // _TBLK
_NW = 32
_RPW = _BATCH // _NW
_IPW = _SEQ * _RPW


def _proj_body(tbl_a, tbl_b, w_ref, b_ref, out_ref):
    w = w_ref[0, :]
    for half, ref in ((0, tbl_a), (1, tbl_b)):
        r3 = ref[...].reshape(_TBLK, 128, _D)
        out_ref[pl.ds(half * _TBLK, _TBLK), :] = (
            jnp.sum(r3 * w[None, None, :], axis=2) + b_ref[0])


def _project(table, w, b):
    return pl.pallas_call(
        _proj_body,
        grid=(_GRID // 2,),
        in_specs=[
            pl.BlockSpec((_TBLK * 128, _D), lambda i: (2 * i, 0)),
            pl.BlockSpec((_TBLK * 128, _D), lambda i: (2 * i + 1, 0)),
            pl.BlockSpec((1, _D), lambda i: (0, 0)),
            pl.BlockSpec(memory_space=pltpu.SMEM),
        ],
        out_specs=pl.BlockSpec((2 * _TBLK, 128), lambda i: (i, 0)),
        out_shape=jax.ShapeDtypeStruct((_TROWS, 128), jnp.float32),
    )(table, table, w, b)


def _sc_body(xr_hbm, t_hbm, out_hbm, idx_v, g_v, res_v, sem):
    wid = lax.axis_index("s") * 2 + lax.axis_index("c")
    base = wid * _RPW
    pltpu.sync_copy(xr_hbm.at[wid], idx_v)
    pltpu.async_copy(t_hbm.at[idx_v], g_v, sem).wait()

    zero = jnp.zeros((16,), jnp.float32)

    def body(s, accs):
        off = s * _RPW
        return tuple(
            accs[rb] + g_v[pl.ds(off + rb * 16, 16)] for rb in range(8)
        )

    accs = lax.fori_loop(0, _SEQ, body, (zero,) * 8)
    inv = jnp.float32(1.0 / _SEQ)
    for rb in range(8):
        z = accs[rb] * inv
        res_v[pl.ds(rb * 16, 16)] = 1.0 / (1.0 + jnp.exp(-z))
    pltpu.sync_copy(res_v, out_hbm.at[pl.ds(base, _RPW)])


def _gather_pool(xr, t_flat):
    mesh = plsc.VectorSubcoreMesh(core_axis_name="c", subcore_axis_name="s")
    fn = pl.kernel(
        _sc_body,
        mesh=mesh,
        out_type=jax.ShapeDtypeStruct((_BATCH,), jnp.float32),
        scratch_types=[
            pltpu.VMEM((_IPW,), jnp.int32),
            pltpu.VMEM((_IPW,), jnp.float32),
            pltpu.VMEM((_RPW,), jnp.float32),
            pltpu.SemaphoreType.DMA,
        ],
    )
    return fn(xr, t_flat)


def kernel(x, table, W, b):
    t2d = _project(table, W, b)
    t_flat = t2d.reshape(-1)
    xr = x.reshape(_NW, _RPW, _SEQ).transpose(0, 2, 1).reshape(_NW, _IPW)
    y = _gather_pool(xr, t_flat)
    return y.reshape(_BATCH, 1)

# --- scband reference (transcript-rebuilt; emitter-appended) ---
"""Pipeline reference for scband-baseline-10582799417878 (READ-ONLY COPY).

The authoritative reference and input builder live on the scoring server;
editing this copy changes nothing except your own understanding.
"""

import jax, jax.numpy as jnp
import numpy as np

VOCAB = 1000000
EMBED_DIM = 64
BATCH = 4096
SEQ = 200

def setup_inputs(seed: int = 0) -> dict:
    key = jax.random.key(seed)
    k1, k2, k3 = jax.random.split(key, 3)
    x = jax.random.randint(k1, (BATCH, SEQ), 0, VOCAB, dtype=jnp.int64 if jax.config.jax_enable_x64 else jnp.int32).astype(jnp.int32)
    table = jax.random.normal(k2, (VOCAB, EMBED_DIM), dtype=jnp.float32) * 0.02
    W = jax.random.normal(k3, (1, EMBED_DIM), dtype=jnp.float32) * 0.1
    b = jnp.zeros((1,), dtype=jnp.float32)
    return {"x": x, "table": table, "W": W, "b": b}

def reference(x, table, W, b):
    # x = self.embedding(x)
    emb = jnp.take(table, x, axis=0)           # [B, S, D]
    # x = torch.mean(x, 1)
    m = jnp.mean(emb, axis=1)                  # [B, D]
    # x = self.fc1(x)
    y = m @ W.T + b                            # [B, 1]
    # x = torch.sigmoid(x)
    return jax.nn.sigmoid(y)

if __name__ == "__main__":
    import jax
    _d = setup_inputs()
    print(jax.jit(kernel)(*tuple(_d.values())))

</pallas_src>

<mosaic_0001>
#map = affine_map<(d0, d1) -> (0, 0)>
#map1 = affine_map<(d0, d1) -> (0)>
module attributes {stable_mosaic.version = 14 : i64} {
  func.func @_sc_body(%arg0: i32, %arg1: i32, %arg2: memref<32x25600xi32, #tpu.memory_space<hbm>>, %arg3: memref<1015808xf32, #tpu.memory_space<hbm>>, %arg4: memref<4096xf32, #tpu.memory_space<hbm>>, %arg5: memref<25600xi32, #tpu.memory_space<vmem>>, %arg6: memref<25600xf32, #tpu.memory_space<vmem>>, %arg7: memref<128xf32, #tpu.memory_space<vmem>>, %arg8: memref<!tpu.dma_semaphore, #tpu.memory_space<semaphore_mem>>) attributes {dimension_semantics = [#tpu.dimension_semantics<core_parallel>, #tpu.dimension_semantics<subcore_parallel>], iteration_bounds = array<i64: 2, 16>, scalar_prefetch = 0 : i64, scratch_operands = 4 : i64, tpu.core_type = #tpu.core_type<sc_vector_subcore>, window_params = [{transform_indices = #map}, {transform_indices = #map1}, {transform_indices = #map1}]} {
    %mul3A = arith.constant 2 : i32
    %mul3A_0 = arith.muli %arg1, %mul3A : i32
    %add3A = arith.addi %mul3A_0, %arg0 : i32
    %mul3A_1 = arith.constant 128 : i32
    %mul3A_2 = arith.muli %add3A, %mul3A_1 : i32
    "tpu.region"() ({
      %run_scoped3A = tpu.sem_alloc : memref<!tpu.dma_semaphore, #tpu.memory_space<semaphore_mem>>
      %dma_start3A_143 = arith.constant 0 : i32
      %dma_start3A_144 = tpu.memref_slice %arg2[%add3A, %dma_start3A_143] : memref<32x25600xi32, #tpu.memory_space<hbm>> -> memref<1x25600xi32, #tpu.memory_space<hbm>>
      %dma_start3A_145 = tpu.memref_squeeze %dma_start3A_144 : memref<1x25600xi32, #tpu.memory_space<hbm>> -> memref<25600xi32, #tpu.memory_space<hbm>>
      %dma_start3A_146 = arith.constant 0 : i32
      %dma_start3A_147 = tpu.memref_slice %arg2[%add3A, %dma_start3A_146] : memref<32x25600xi32, #tpu.memory_space<hbm>> -> memref<1x25600xi32, #tpu.memory_space<hbm>>
      %dma_start3A_148 = tpu.memref_squeeze %dma_start3A_147 : memref<1x25600xi32, #tpu.memory_space<hbm>> -> memref<25600xi32, #tpu.memory_space<hbm>>
      tpu.enqueue_dma source(%dma_start3A_148 : memref<25600xi32, #tpu.memory_space<hbm>>) target(%arg5 : memref<25600xi32, #tpu.memory_space<vmem>>) target_semaphore(%run_scoped3A : memref<!tpu.dma_semaphore, #tpu.memory_space<semaphore_mem>>)
      %dma_wait3A_149 = arith.constant 0 : i32
      %dma_wait3A_150 = tpu.memref_slice %arg2[%add3A, %dma_wait3A_149] : memref<32x25600xi32, #tpu.memory_space<hbm>> -> memref<1x25600xi32, #tpu.memory_space<hbm>>
      %dma_wait3A_151 = tpu.memref_squeeze %dma_wait3A_150 : memref<1x25600xi32, #tpu.memory_space<hbm>> -> memref<25600xi32, #tpu.memory_space<hbm>>
      %dma_wait3A_152 = arith.constant 0 : i32
      %dma_wait3A_153 = tpu.memref_slice %arg2[%add3A, %dma_wait3A_152] : memref<32x25600xi32, #tpu.memory_space<hbm>> -> memref<1x25600xi32, #tpu.memory_space<hbm>>
      %dma_wait3A_154 = tpu.memref_squeeze %dma_wait3A_153 : memref<1x25600xi32, #tpu.memory_space<hbm>> -> memref<25600xi32, #tpu.memory_space<hbm>>
      tpu.wait_dma2 semaphore(%run_scoped3A : memref<!tpu.dma_semaphore, #tpu.memory_space<semaphore_mem>>) src(%dma_wait3A_154 : memref<25600xi32, #tpu.memory_space<hbm>>) dst(%arg5 : memref<25600xi32, #tpu.memory_space<vmem>>)
      tpu.yield
    }) : () -> ()
    %dma_start3A = arith.constant 0 : i32
    %dma_start3A_3 = tpu.memref_slice %arg3[%dma_start3A] : memref<1015808xf32, #tpu.memory_space<hbm>> -> memref<1015808xf32, #tpu.memory_space<hbm>>
    tpu.enqueue_indirect_dma source(%dma_start3A_3 : memref<1015808xf32, #tpu.memory_space<hbm>>) target(%arg6 : memref<25600xf32, #tpu.memory_space<vmem>>) offsets(%arg5 : memref<25600xi32, #tpu.memory_space<vmem>>) semaphore(%arg8 : memref<!tpu.dma_semaphore, #tpu.memory_space<semaphore_mem>>)
    %dma_wait3A = arith.constant 0 : i32
    %dma_wait3A_4 = tpu.memref_slice %arg3[%dma_wait3A] : memref<1015808xf32, #tpu.memory_space<hbm>> -> memref<1015808xf32, #tpu.memory_space<hbm>>
    tpu.wait_indirect_dma semaphore(%arg8 : memref<!tpu.dma_semaphore, #tpu.memory_space<semaphore_mem>>) src(%dma_wait3A_4 : memref<1015808xf32, #tpu.memory_space<hbm>>) dst(%arg6 : memref<25600xf32, #tpu.memory_space<vmem>>)
    %broadcast_in_dim3A = arith.constant 0.000000e+00 : f32
    %broadcast_in_dim3A_5 = vector.broadcast %broadcast_in_dim3A : f32 to vector<16xf32>
    %scan3A = arith.constant 0 : i32
    %scan3A_6 = arith.constant 200 : i32
    %scan3A_7 = arith.addi %scan3A, %scan3A_6 : i32
    %scan3A_8 = arith.constant 1 : i32
    %scan3A_9:8 = scf.for %scan3A_143 = %scan3A to %scan3A_7 step %scan3A_8 iter_args(%scan3A_144 = %broadcast_in_dim3A_5, %scan3A_145 = %broadcast_in_dim3A_5, %scan3A_146 = %broadcast_in_dim3A_5, %scan3A_147 = %broadcast_in_dim3A_5, %scan3A_148 = %broadcast_in_dim3A_5, %scan3A_149 = %broadcast_in_dim3A_5, %scan3A_150 = %broadcast_in_dim3A_5, %scan3A_151 = %broadcast_in_dim3A_5) -> (vector<16xf32>, vector<16xf32>, vector<16xf32>, vector<16xf32>, vector<16xf32>, vector<16xf32>, vector<16xf32>, vector<16xf32>)  : i32 {
      %mul3A_152 = arith.constant 128 : i32
      %mul3A_153 = arith.muli %scan3A_143, %mul3A_152 : i32
      %add3A_154 = arith.constant 0 : i32
      %add3A_155 = arith.addi %mul3A_153, %add3A_154 : i32
      %get3A = arith.index_cast %add3A_155 : i32 to index
      %get3A_156 = tpu.vector_load %arg6[%get3A] {strides = array<i32>} : memref<25600xf32, #tpu.memory_space<vmem>>, vector<16xf32>,
      %get3A_157 = vector.shape_cast %get3A_156 : vector<16xf32> to vector<16xf32>
      %add3A_158 = arith.addf %scan3A_144, %get3A_157 : vector<16xf32>
      %add3A_159 = arith.constant 16 : i32
      %add3A_160 = arith.addi %mul3A_153, %add3A_159 : i32
      %get3A_161 = arith.index_cast %add3A_160 : i32 to index
      %get3A_162 = tpu.vector_load %arg6[%get3A_161] {strides = array<i32>} : memref<25600xf32, #tpu.memory_space<vmem>>, vector<16xf32>,
      %get3A_163 = vector.shape_cast %get3A_162 : vector<16xf32> to vector<16xf32>
      %add3A_164 = arith.addf %scan3A_145, %get3A_163 : vector<16xf32>
      %add3A_165 = arith.constant 32 : i32
      %add3A_166 = arith.addi %mul3A_153, %add3A_165 : i32
      %get3A_167 = arith.index_cast %add3A_166 : i32 to index
      %get3A_168 = tpu.vector_load %arg6[%get3A_167] {strides = array<i32>} : memref<25600xf32, #tpu.memory_space<vmem>>, vector<16xf32>,
      %get3A_169 = vector.shape_cast %get3A_168 : vector<16xf32> to vector<16xf32>
      %add3A_170 = arith.addf %scan3A_146, %get3A_169 : vector<16xf32>
      %add3A_171 = arith.constant 48 : i32
      %add3A_172 = arith.addi %mul3A_153, %add3A_171 : i32
      %get3A_173 = arith.index_cast %add3A_172 : i32 to index
      %get3A_174 = tpu.vector_load %arg6[%get3A_173] {strides = array<i32>} : memref<25600xf32, #tpu.memory_space<vmem>>, vector<16xf32>,
      %get3A_175 = vector.shape_cast %get3A_174 : vector<16xf32> to vector<16xf32>
      %add3A_176 = arith.addf %scan3A_147, %get3A_175 : vector<16xf32>
      %add3A_177 = arith.constant 64 : i32
      %add3A_178 = arith.addi %mul3A_153, %add3A_177 : i32
      %get3A_179 = arith.index_cast %add3A_178 : i32 to index
      %get3A_180 = tpu.vector_load %arg6[%get3A_179] {strides = array<i32>} : memref<25600xf32, #tpu.memory_space<vmem>>, vector<16xf32>,
      %get3A_181 = vector.shape_cast %get3A_180 : vector<16xf32> to vector<16xf32>
      %add3A_182 = arith.addf %scan3A_148, %get3A_181 : vector<16xf32>
      %add3A_183 = arith.constant 80 : i32
      %add3A_184 = arith.addi %mul3A_153, %add3A_183 : i32
      %get3A_185 = arith.index_cast %add3A_184 : i32 to index
      %get3A_186 = tpu.vector_load %arg6[%get3A_185] {strides = array<i32>} : memref<25600xf32, #tpu.memory_space<vmem>>, vector<16xf32>,
      %get3A_187 = vector.shape_cast %get3A_186 : vector<16xf32> to vector<16xf32>
      %add3A_188 = arith.addf %scan3A_149, %get3A_187 : vector<16xf32>
      %add3A_189 = arith.constant 96 : i32
      %add3A_190 = arith.addi %mul3A_153, %add3A_189 : i32
      %get3A_191 = arith.index_cast %add3A_190 : i32 to index
      %get3A_192 = tpu.vector_load %arg6[%get3A_191] {strides = array<i32>} : memref<25600xf32, #tpu.memory_space<vmem>>, vector<16xf32>,
      %get3A_193 = vector.shape_cast %get3A_192 : vector<16xf32> to vector<16xf32>
      %add3A_194 = arith.addf %scan3A_150, %get3A_193 : vector<16xf32>
      %add3A_195 = arith.constant 112 : i32
      %add3A_196 = arith.addi %mul3A_153, %add3A_195 : i32
      %get3A_197 = arith.index_cast %add3A_196 : i32 to index
      %get3A_198 = tpu.vector_load %arg6[%get3A_197] {strides = array<i32>} : memref<25600xf32, #tpu.memory_space<vmem>>, vector<16xf32>,
      %get3A_199 = vector.shape_cast %get3A_198 : vector<16xf32> to vector<16xf32>
      %add3A_200 = arith.addf %scan3A_151, %get3A_199 : vector<16xf32>
      scf.yield %add3A_158, %add3A_164, %add3A_170, %add3A_176, %add3A_182, %add3A_188, %add3A_194, %add3A_200 : vector<16xf32>, vector<16xf32>, vector<16xf32>, vector<16xf32>, vector<16xf32>, vector<16xf32>, vector<16xf32>, vector<16xf32>
    }
    %scan3A_10 = arith.constant 200 : i32
    %mul3A_11 = arith.constant 5.000000e-03 : f32
    %mul3A_12 = vector.broadcast %mul3A_11 : f32 to vector<16xf32>
    %mul3A_13 = arith.mulf %scan3A_9#0, %mul3A_12 : vector<16xf32>
    %neg3A = arith.constant 0.000000e+00 : f32
    %neg3A_14 = vector.broadcast %neg3A : f32 to vector<16xf32>
    %neg3A_15 = arith.subf %neg3A_14, %mul3A_13 : vector<16xf32>
    %exp3A = math.exp %neg3A_15 : vector<16xf32>
    %add3A_16 = arith.constant 1.000000e+00 : f32
    %add3A_17 = vector.broadcast %add3A_16 : f32 to vector<16xf32>
    %add3A_18 = arith.addf %add3A_17, %exp3A : vector<16xf32>
    %div3A = arith.constant 1.000000e+00 : f32
    %div3A_19 = vector.broadcast %div3A : f32 to vector<16xf32>
    %div3A_20 = arith.divf %div3A_19, %add3A_18 : vector<16xf32>
    %swap3A = arith.constant 0 : index
    %swap3A_21 = tpu.vector_load %arg7[%swap3A] {strides = array<i32>} : memref<128xf32, #tpu.memory_space<vmem>>, vector<16xf32>,
    %swap3A_22 = vector.shape_cast %swap3A_21 : vector<16xf32> to vector<16xf32>
    %swap3A_23 = vector.shape_cast %div3A_20 : vector<16xf32> to vector<16xf32>
    tpu.vector_store %arg7[%swap3A], %swap3A_23 {strides = array<i32>} : memref<128xf32, #tpu.memory_space<vmem>>, vector<16xf32>,
    %mul3A_24 = arith.constant 5.000000e-03 : f32
    %mul3A_25 = vector.broadcast %mul3A_24 : f32 to vector<16xf32>
    %mul3A_26 = arith.mulf %scan3A_9#1, %mul3A_25 : vector<16xf32>
    %neg3A_27 = arith.constant 0.000000e+00 : f32
    %neg3A_28 = vector.broadcast %neg3A_27 : f32 to vector<16xf32>
    %neg3A_29 = arith.subf %neg3A_28, %mul3A_26 : vector<16xf32>
    %exp3A_30 = math.exp %neg3A_29 : vector<16xf32>
    %add3A_31 = arith.constant 1.000000e+00 : f32
    %add3A_32 = vector.broadcast %add3A_31 : f32 to vector<16xf32>
    %add3A_33 = arith.addf %add3A_32, %exp3A_30 : vector<16xf32>
    %div3A_34 = arith.constant 1.000000e+00 : f32
    %div3A_35 = vector.broadcast %div3A_34 : f32 to vector<16xf32>
    %div3A_36 = arith.divf %div3A_35, %add3A_33 : vector<16xf32>
    %swap3A_37 = arith.constant 16 : index
    %swap3A_38 = tpu.vector_load %arg7[%swap3A_37] {strides = array<i32>} : memref<128xf32, #tpu.memory_space<vmem>>, vector<16xf32>,
    %swap3A_39 = vector.shape_cast %swap3A_38 : vector<16xf32> to vector<16xf32>
    %swap3A_40 = vector.shape_cast %div3A_36 : vector<16xf32> to vector<16xf32>
    tpu.vector_store %arg7[%swap3A_37], %swap3A_40 {strides = array<i32>} : memref<128xf32, #tpu.memory_space<vmem>>, vector<16xf32>,
    %mul3A_41 = arith.constant 5.000000e-03 : f32
    %mul3A_42 = vector.broadcast %mul3A_41 : f32 to vector<16xf32>
    %mul3A_43 = arith.mulf %scan3A_9#2, %mul3A_42 : vector<16xf32>
    %neg3A_44 = arith.constant 0.000000e+00 : f32
    %neg3A_45 = vector.broadcast %neg3A_44 : f32 to vector<16xf32>
    %neg3A_46 = arith.subf %neg3A_45, %mul3A_43 : vector<16xf32>
    %exp3A_47 = math.exp %neg3A_46 : vector<16xf32>
    %add3A_48 = arith.constant 1.000000e+00 : f32
    %add3A_49 = vector.broadcast %add3A_48 : f32 to vector<16xf32>
    %add3A_50 = arith.addf %add3A_49, %exp3A_47 : vector<16xf32>
    %div3A_51 = arith.constant 1.000000e+00 : f32
    %div3A_52 = vector.broadcast %div3A_51 : f32 to vector<16xf32>
    %div3A_53 = arith.divf %div3A_52, %add3A_50 : vector<16xf32>
    %swap3A_54 = arith.constant 32 : index
    %swap3A_55 = tpu.vector_load %arg7[%swap3A_54] {strides = array<i32>} : memref<128xf32, #tpu.memory_space<vmem>>, vector<16xf32>,
    %swap3A_56 = vector.shape_cast %swap3A_55 : vector<16xf32> to vector<16xf32>
    %swap3A_57 = vector.shape_cast %div3A_53 : vector<16xf32> to vector<16xf32>
    tpu.vector_store %arg7[%swap3A_54], %swap3A_57 {strides = array<i32>} : memref<128xf32, #tpu.memory_space<vmem>>, vector<16xf32>,
    %mul3A_58 = arith.constant 5.000000e-03 : f32
    %mul3A_59 = vector.broadcast %mul3A_58 : f32 to vector<16xf32>
    %mul3A_60 = arith.mulf %scan3A_9#3, %mul3A_59 : vector<16xf32>
    %neg3A_61 = arith.constant 0.000000e+00 : f32
    %neg3A_62 = vector.broadcast %neg3A_61 : f32 to vector<16xf32>
    %neg3A_63 = arith.subf %neg3A_62, %mul3A_60 : vector<16xf32>
    %exp3A_64 = math.exp %neg3A_63 : vector<16xf32>
    %add3A_65 = arith.constant 1.000000e+00 : f32
    %add3A_66 = vector.broadcast %add3A_65 : f32 to vector<16xf32>
    %add3A_67 = arith.addf %add3A_66, %exp3A_64 : vector<16xf32>
    %div3A_68 = arith.constant 1.000000e+00 : f32
    %div3A_69 = vector.broadcast %div3A_68 : f32 to vector<16xf32>
    %div3A_70 = arith.divf %div3A_69, %add3A_67 : vector<16xf32>
    %swap3A_71 = arith.constant 48 : index
    %swap3A_72 = tpu.vector_load %arg7[%swap3A_71] {strides = array<i32>} : memref<128xf32, #tpu.memory_space<vmem>>, vector<16xf32>,
    %swap3A_73 = vector.shape_cast %swap3A_72 : vector<16xf32> to vector<16xf32>
    %swap3A_74 = vector.shape_cast %div3A_70 : vector<16xf32> to vector<16xf32>
    tpu.vector_store %arg7[%swap3A_71], %swap3A_74 {strides = array<i32>} : memref<128xf32, #tpu.memory_space<vmem>>, vector<16xf32>,
    %mul3A_75 = arith.constant 5.000000e-03 : f32
    %mul3A_76 = vector.broadcast %mul3A_75 : f32 to vector<16xf32>
    %mul3A_77 = arith.mulf %scan3A_9#4, %mul3A_76 : vector<16xf32>
    %neg3A_78 = arith.constant 0.000000e+00 : f32
    %neg3A_79 = vector.broadcast %neg3A_78 : f32 to vector<16xf32>
    %neg3A_80 = arith.subf %neg3A_79, %mul3A_77 : vector<16xf32>
    %exp3A_81 = math.exp %neg3A_80 : vector<16xf32>
    %add3A_82 = arith.constant 1.000000e+00 : f32
    %add3A_83 = vector.broadcast %add3A_82 : f32 to vector<16xf32>
    %add3A_84 = arith.addf %add3A_83, %exp3A_81 : vector<16xf32>
    %div3A_85 = arith.constant 1.000000e+00 : f32
    %div3A_86 = vector.broadcast %div3A_85 : f32 to vector<16xf32>
    %div3A_87 = arith.divf %div3A_86, %add3A_84 : vector<16xf32>
    %swap3A_88 = arith.constant 64 : index
    %swap3A_89 = tpu.vector_load %arg7[%swap3A_88] {strides = array<i32>} : memref<128xf32, #tpu.memory_space<vmem>>, vector<16xf32>,
    %swap3A_90 = vector.shape_cast %swap3A_89 : vector<16xf32> to vector<16xf32>
    %swap3A_91 = vector.shape_cast %div3A_87 : vector<16xf32> to vector<16xf32>
    tpu.vector_store %arg7[%swap3A_88], %swap3A_91 {strides = array<i32>} : memref<128xf32, #tpu.memory_space<vmem>>, vector<16xf32>,
    %mul3A_92 = arith.constant 5.000000e-03 : f32
    %mul3A_93 = vector.broadcast %mul3A_92 : f32 to vector<16xf32>
    %mul3A_94 = arith.mulf %scan3A_9#5, %mul3A_93 : vector<16xf32>
    %neg3A_95 = arith.constant 0.000000e+00 : f32
    %neg3A_96 = vector.broadcast %neg3A_95 : f32 to vector<16xf32>
    %neg3A_97 = arith.subf %neg3A_96, %mul3A_94 : vector<16xf32>
    %exp3A_98 = math.exp %neg3A_97 : vector<16xf32>
    %add3A_99 = arith.constant 1.000000e+00 : f32
    %add3A_100 = vector.broadcast %add3A_99 : f32 to vector<16xf32>
    %add3A_101 = arith.addf %add3A_100, %exp3A_98 : vector<16xf32>
    %div3A_102 = arith.constant 1.000000e+00 : f32
    %div3A_103 = vector.broadcast %div3A_102 : f32 to vector<16xf32>
    %div3A_104 = arith.divf %div3A_103, %add3A_101 : vector<16xf32>
    %swap3A_105 = arith.constant 80 : index
    %swap3A_106 = tpu.vector_load %arg7[%swap3A_105] {strides = array<i32>} : memref<128xf32, #tpu.memory_space<vmem>>, vector<16xf32>,
    %swap3A_107 = vector.shape_cast %swap3A_106 : vector<16xf32> to vector<16xf32>
    %swap3A_108 = vector.shape_cast %div3A_104 : vector<16xf32> to vector<16xf32>
    tpu.vector_store %arg7[%swap3A_105], %swap3A_108 {strides = array<i32>} : memref<128xf32, #tpu.memory_space<vmem>>, vector<16xf32>,
    %mul3A_109 = arith.constant 5.000000e-03 : f32
    %mul3A_110 = vector.broadcast %mul3A_109 : f32 to vector<16xf32>
    %mul3A_111 = arith.mulf %scan3A_9#6, %mul3A_110 : vector<16xf32>
    %neg3A_112 = arith.constant 0.000000e+00 : f32
    %neg3A_113 = vector.broadcast %neg3A_112 : f32 to vector<16xf32>
    %neg3A_114 = arith.subf %neg3A_113, %mul3A_111 : vector<16xf32>
    %exp3A_115 = math.exp %neg3A_114 : vector<16xf32>
    %add3A_116 = arith.constant 1.000000e+00 : f32
    %add3A_117 = vector.broadcast %add3A_116 : f32 to vector<16xf32>
    %add3A_118 = arith.addf %add3A_117, %exp3A_115 : vector<16xf32>
    %div3A_119 = arith.constant 1.000000e+00 : f32
    %div3A_120 = vector.broadcast %div3A_119 : f32 to vector<16xf32>
    %div3A_121 = arith.divf %div3A_120, %add3A_118 : vector<16xf32>
    %swap3A_122 = arith.constant 96 : index
    %swap3A_123 = tpu.vector_load %arg7[%swap3A_122] {strides = array<i32>} : memref<128xf32, #tpu.memory_space<vmem>>, vector<16xf32>,
    %swap3A_124 = vector.shape_cast %swap3A_123 : vector<16xf32> to vector<16xf32>
    %swap3A_125 = vector.shape_cast %div3A_121 : vector<16xf32> to vector<16xf32>
    tpu.vector_store %arg7[%swap3A_122], %swap3A_125 {strides = array<i32>} : memref<128xf32, #tpu.memory_space<vmem>>, vector<16xf32>,
    %mul3A_126 = arith.constant 5.000000e-03 : f32
    %mul3A_127 = vector.broadcast %mul3A_126 : f32 to vector<16xf32>
    %mul3A_128 = arith.mulf %scan3A_9#7, %mul3A_127 : vector<16xf32>
    %neg3A_129 = arith.constant 0.000000e+00 : f32
    %neg3A_130 = vector.broadcast %neg3A_129 : f32 to vector<16xf32>
    %neg3A_131 = arith.subf %neg3A_130, %mul3A_128 : vector<16xf32>
    %exp3A_132 = math.exp %neg3A_131 : vector<16xf32>
    %add3A_133 = arith.constant 1.000000e+00 : f32
    %add3A_134 = vector.broadcast %add3A_133 : f32 to vector<16xf32>
    %add3A_135 = arith.addf %add3A_134, %exp3A_132 : vector<16xf32>
    %div3A_136 = arith.constant 1.000000e+00 : f32
    %div3A_137 = vector.broadcast %div3A_136 : f32 to vector<16xf32>
    %div3A_138 = arith.divf %div3A_137, %add3A_135 : vector<16xf32>
    %swap3A_139 = arith.constant 112 : index
    %swap3A_140 = tpu.vector_load %arg7[%swap3A_139] {strides = array<i32>} : memref<128xf32, #tpu.memory_space<vmem>>, vector<16xf32>,
    %swap3A_141 = vector.shape_cast %swap3A_140 : vector<16xf32> to vector<16xf32>
    %swap3A_142 = vector.shape_cast %div3A_138 : vector<16xf32> to vector<16xf32>
    tpu.vector_store %arg7[%swap3A_139], %swap3A_142 {strides = array<i32>} : memref<128xf32, #tpu.memory_space<vmem>>, vector<16xf32>,
    "tpu.region"() ({
      %run_scoped3A = tpu.sem_alloc : memref<!tpu.dma_semaphore, #tpu.memory_space<semaphore_mem>>
      %dma_start3A_143 = tpu.memref_slice %arg4[%mul3A_2] : memref<4096xf32, #tpu.memory_space<hbm>> -> memref<128xf32, #tpu.memory_space<hbm>>
      %dma_start3A_144 = tpu.memref_slice %arg4[%mul3A_2] : memref<4096xf32, #tpu.memory_space<hbm>> -> memref<128xf32, #tpu.memory_space<hbm>>
      tpu.enqueue_dma source(%arg7 : memref<128xf32, #tpu.memory_space<vmem>>) target(%dma_start3A_144 : memref<128xf32, #tpu.memory_space<hbm>>) target_semaphore(%run_scoped3A : memref<!tpu.dma_semaphore, #tpu.memory_space<semaphore_mem>>)
      %dma_wait3A_145 = tpu.memref_slice %arg4[%mul3A_2] : memref<4096xf32, #tpu.memory_space<hbm>> -> memref<128xf32, #tpu.memory_space<hbm>>
      %dma_wait3A_146 = tpu.memref_slice %arg4[%mul3A_2] : memref<4096xf32, #tpu.memory_space<hbm>> -> memref<128xf32, #tpu.memory_space<hbm>>
      tpu.wait_dma2 semaphore(%run_scoped3A : memref<!tpu.dma_semaphore, #tpu.memory_space<semaphore_mem>>) src(%arg7 : memref<128xf32, #tpu.memory_space<vmem>>) dst(%dma_wait3A_146 : memref<128xf32, #tpu.memory_space<hbm>>)
      tpu.yield
    }) : () -> ()
    return
  }
}

module attributes {stable_mosaic.version = 14 : i64} {
  func.func @_proj_body(%arg0: i32, %arg1: memref<16384x64xf32, #tpu.memory_space<vmem>>, %arg2: memref<16384x64xf32, #tpu.memory_space<vmem>>, %arg3: memref<1x64xf32, #tpu.memory_space<vmem>>, %arg4: memref<1xf32, #tpu.memory_space<smem>>, %arg5: memref<256x128xf32, #tpu.memory_space<vmem>>) attributes {dimension_semantics = [#tpu.dimension_semantics<arbitrary>], iteration_bounds = array<i64: 31>, scalar_prefetch = 0 : i64, scratch_operands = 0 : i64, tpu.core_type = #tpu.core_type<tc>, window_params = [{transform_indices = @transform_0, window_bounds = array<i64: 16384, 64>}, {transform_indices = @transform_1, window_bounds = array<i64: 16384, 64>}, {pipeline_mode = #tpu.pipeline_mode<synchronous>, transform_indices = @transform_2, window_bounds = array<i64: 1, 64>}, {transform_indices = @transform_3, window_bounds = array<i64: 1>}, {transform_indices = @transform_4, window_bounds = array<i64: 256, 128>}]} {
    %get3A = arith.constant 0 : index
    %get3A_0 = arith.constant 0 : index
    %get3A_1 = vector.load %arg3[%get3A, %get3A_0] : memref<1x64xf32, #tpu.memory_space<vmem>>, vector<1x64xf32>
    %get3A_2 = vector.shape_cast %get3A_1 : vector<1x64xf32> to vector<64xf32>
    %get3A_3 = arith.constant 0 : index
    %get3A_4 = arith.constant 0 : index
    %get3A_5 = vector.load %arg1[%get3A_3, %get3A_4] : memref<16384x64xf32, #tpu.memory_space<vmem>>, vector<16384x64xf32>
    %reshape3A = vector.shape_cast %get3A_5 : vector<16384x64xf32> to vector<128x128x64xf32>
    %broadcast_in_dim3A = vector.shape_cast %get3A_2 : vector<64xf32> to vector<1x1x64xf32>
    %mul3A = vector.broadcast %broadcast_in_dim3A : vector<1x1x64xf32> to vector<128x128x64xf32>
    %mul3A_6 = arith.mulf %reshape3A, %mul3A : vector<128x128x64xf32>
    %reduce_sum3A = arith.constant dense<0.000000e+00> : vector<128x128xf32>
    %reduce_sum3A_7 = vector.multi_reduction <add>, %mul3A_6, %reduce_sum3A [2] : vector<128x128x64xf32> to vector<128x128xf32>
    %get3A_8 = arith.constant 0 : index
    %get3A_9 = memref.load %arg4[%get3A_8] : memref<1xf32, #tpu.memory_space<smem>>
    %add3A = vector.broadcast %get3A_9 : f32 to vector<128x128xf32>
    %add3A_10 = arith.addf %reduce_sum3A_7, %add3A : vector<128x128xf32>
    %swap3A = arith.constant 0 : index
    %swap3A_11 = arith.constant 0 : index
    %swap3A_12 = vector.load %arg5[%swap3A, %swap3A_11] : memref<256x128xf32, #tpu.memory_space<vmem>>, vector<128x128xf32>
    tpu.vector_store %arg5[%swap3A, %swap3A_11], %add3A_10 {strides = array<i32>} : memref<256x128xf32, #tpu.memory_space<vmem>>, vector<128x128xf32>,
    %get3A_13 = arith.constant 0 : index
    %get3A_14 = arith.constant 0 : index
    %get3A_15 = vector.load %arg2[%get3A_13, %get3A_14] : memref<16384x64xf32, #tpu.memory_space<vmem>>, vector<16384x64xf32>
    %reshape3A_16 = vector.shape_cast %get3A_15 : vector<16384x64xf32> to vector<128x128x64xf32>
    %broadcast_in_dim3A_17 = vector.shape_cast %get3A_2 : vector<64xf32> to vector<1x1x64xf32>
    %mul3A_18 = vector.broadcast %broadcast_in_dim3A_17 : vector<1x1x64xf32> to vector<128x128x64xf32>
    %mul3A_19 = arith.mulf %reshape3A_16, %mul3A_18 : vector<128x128x64xf32>
    %reduce_sum3A_20 = arith.constant dense<0.000000e+00> : vector<128x128xf32>
    %reduce_sum3A_21 = vector.multi_reduction <add>, %mul3A_19, %reduce_sum3A_20 [2] : vector<128x128x64xf32> to vector<128x128xf32>
    %get3A_22 = arith.constant 0 : index
    %get3A_23 = memref.load %arg4[%get3A_22] : memref<1xf32, #tpu.memory_space<smem>>
    %add3A_24 = vector.broadcast %get3A_23 : f32 to vector<128x128xf32>
    %add3A_25 = arith.addf %reduce_sum3A_21, %add3A_24 : vector<128x128xf32>
    %swap3A_26 = arith.constant 128 : index
    %swap3A_27 = arith.constant 0 : index
    %swap3A_28 = vector.load %arg5[%swap3A_26, %swap3A_27] : memref<256x128xf32, #tpu.memory_space<vmem>>, vector<128x128xf32>
    tpu.vector_store %arg5[%swap3A_26, %swap3A_27], %add3A_25 {strides = array<i32>} : memref<256x128xf32, #tpu.memory_space<vmem>>, vector<128x128xf32>,
    return
  }
  func.func @transform_0(%arg0: i32) -> (i32, i32) {
    %mul3A = arith.constant 2 : i32
    %mul3A_0 = arith.muli %mul3A, %arg0 : i32
    %c0_i32 = arith.constant 0 : i32
    %c0_i32_1 = arith.constant 0 : i32
    return %mul3A_0, %c0_i32 : i32, i32
  }
  func.func @transform_1(%arg0: i32) -> (i32, i32) {
    %mul3A = arith.constant 2 : i32
    %mul3A_0 = arith.muli %mul3A, %arg0 : i32
    %add3A = arith.constant 1 : i32
    %add3A_1 = arith.addi %mul3A_0, %add3A : i32
    %c0_i32 = arith.constant 0 : i32
    %c0_i32_2 = arith.constant 0 : i32
    return %add3A_1, %c0_i32 : i32, i32
  }
  func.func @transform_2(%arg0: i32) -> (i32, i32) {
    %c0_i32 = arith.constant 0 : i32
    %c0_i32_0 = arith.constant 0 : i32
    %c0_i32_1 = arith.constant 0 : i32
    return %c0_i32, %c0_i32_0 : i32, i32
  }
  func.func @transform_3(%arg0: i32) -> i32 {
    %c0_i32 = arith.constant 0 : i32
    %c0_i32_0 = arith.constant 0 : i32
    return %c0_i32 : i32
  }
  func.func @transform_4(%arg0: i32) -> (i32, i32) {
    %c0_i32 = arith.constant 0 : i32
    %c0_i32_0 = arith.constant 0 : i32
    return %arg0, %c0_i32 : i32, i32
  }
}

</mosaic_0001>

<sc_bundles>
// kernel: kernel.4.cloned.1.call-start
scs
__scs_entry_jumppad:
0x0: {  	(pc) =	sbr.rel $0x88, $3  }
0x1: {  	(tag) =	ssettag $0x0;
	lr =	simm.s32 $0x1  }
0x2: {  	[smem:$0x3F9D] =	sst lr;
	_ =	strace $0xD0000000  }
0x3: {  	_ = 	snop  }
0x4: {  	_ = 	snop  }
0x5: {  	_ = 	snop  }
0x6: {  	_ = 	snop  }
0x7: {  	_ = 	snop  }
__scs_overlays_trampoline_lowered:
0x8: {  	[smem:$0x3FAC] =	sst s0  }
0x9: {  	[smem:$0x3FAD] =	sst s1  }
0xa: {  	[smem:$0x3FAE] =	sst s2  }
0xb: {  	[smem:$0x3FAF] =	sst s3  }
0xc: {  	[smem:$0x3FB0] =	sst s4  }
0xd: {  	[smem:$0x3FB1] =	sst s5  }
0xe: {  	[smem:$0x3FB2] =	sst s6  }
0xf: {  	[smem:$0x3FB3] =	sst s7  }
0x10: {  	[smem:$0x3FB4] =	sst s8  }
0x11: {  	[smem:$0x3FB5] =	sst s9;
	s0 =	simm.s32 @!p0 $0x0  }
0x12: {  	s1 =	sld [smem:$0x3F9B];
	s0 =	simm.s32 @p0 $0x1  }
0x13: {  	[smem:$0x3FB6] =	sst s0;
	s0 =	simm.s32 @!p1 $0x0  }
0x14: {  	s2 =	sld [smem:$0x3F9A];
	s0 =	simm.s32 @p1 $0x1  }
0x15: {  	[smem:$0x3FB7] =	sst s0;
	s0 =	simm.s32 @!p2 $0x0  }
0x16: {  	s3 =	sld [smem:$0x3FDB];
	s0 =	simm.s32 @p2 $0x1  }
0x17: {  	s4 =	simm.s32 $0x1BF5;
	[smem:$0x3FB9] =	sst s0  }
0x18: {  	s0 =	sld [smem:$0x3F9C];
	_ =	swait.ge [sflag:s4], $0x0  }
0x19: {  	s7 =	sld [smem:$0x3F9D]  }
0x1a: {  	s8 =	sadd.s32 $0xFFFFE003, lr  }
0x1b: {  	s9 =	sadd.s32 $0xFFFFFEF7, lr;
	s5 =	simm.s32 $0xFFFFFFFF;
	p2 =	slt.u32 s8, $0xFFFFF086  }
0x1c: {  	p1 =	slt.u32 s9, $0xF7A;
	s5 =	simm.s32 @!p2 $0x0  }
0x1d: {  	s5 =	simm.s32 @p1 $0x1;
	p0 =	seq.s32 s7, s2  }
0x1e: {  	s7 =	smul.u32 @!p0 $0xF7A, s2;
	p2 =	seq.s32 @!p0 s5, $0x0  }
0x1f: {  	s9 =	smul.u32 $0xF7A, s1;
	s8 =	simm.s32 @!p0 $0x1BF5;
	p2 =	por !p2, p0  }
0x20: {  	[sflag:s8] =	ssyncset.s32 @!p0 $0xFFFFF086;
	s6 =	sadd.s32 @!p0 s3, s7;
	s7 =	simm.s32 @!p0 $0x108  }
0x21: {  	s3 =	sadd.s32 s3, s9;
	s6 =	sadd.s32 @!p0 $0x88, s6;
	s7 =	simm.s32 @p2 $0x1082  }
0x22: {  	[simem:s7], [sflag:s8] =	dma.local @!p0 [hbm:s6], $0xF7A  }
0x23: {  	s9 =	sor.u32 $0xD0000000, s2;
	s6 =	simm.s32 $0x108;
	_ =	swait.ge @!p0 [sflag:s8], $0x0  }
0x24: {  	s3 =	sadd.s32 $0x88, s3;
	s6 =	simm.s32 @!p1 $0x1082;
	[sflag:s4] =	ssyncset.s32 $0xFFFFF086  }
0x25: {  	[simem:s6], [sflag:s4] =	dma.local [hbm:s3], $0xF7A  }
0x26: {  	[smem:$0x3F9D] =	sst s1;
	(tag) =	ssettag s2;
	_ =	strace s9  }
0x27: {  	s1 =	sld [smem:$0x3FAD]  }
0x28: {  	s2 =	sld [smem:$0x3FAE]  }
0x29: {  	s4 =	sld [smem:$0x3FB0]  }
0x2a: {  	p0 =	seq.s32 s5, $0x0;
	s5 =	sld [smem:$0x3FB1]  }
0x2b: {  	s6 =	sld [smem:$0x3FB2]  }
0x2c: {  	s7 =	sld [smem:$0x3FB3]  }
0x2d: {  	s3 =	simm.s32 $0x108;
	s8 =	sld [smem:$0x3FB4]  }
0x2e: {  	s3 =	simm.s32 @!p0 $0x1082;
	s9 =	sld [smem:$0x3FB5]  }
0x2f: {  	lr =	sadd.s32 s0, s3;
	s0 =	sld [smem:$0x3FAC]  }
0x30: {  	s3 =	sld [smem:$0x3FAF]  }
0x31: {  	[smem:$0x3FB8] =	sst s10  }
0x32: {  	s10 =	sld [smem:$0x3FB6];
	_ =	sdelay $0x3  }
0x33: {  	p0 =	seq.s32 s10, $0x1;
	s10 =	sld [smem:$0x3FB8];
	_ =	sdelay $0x3  }
0x34: {  	[smem:$0x3FB8] =	sst s10  }
0x35: {  	s10 =	sld [smem:$0x3FB7];
	_ =	sdelay $0x3  }
0x36: {  	p1 =	seq.s32 s10, $0x1;
	s10 =	sld [smem:$0x3FB8];
	_ =	sdelay $0x3  }
0x37: {  	[smem:$0x3FB8] =	sst s10  }
0x38: {  	s10 =	sld [smem:$0x3FB9]  }
0x39: {  	_ = 	snop;
	(pc) =	sbr.ind lr, $3  }
0x3a: {  	_ = 	snop  }
0x3b: {  	_ = 	snop  }
0x3c: {  	p2 =	seq.s32 s10, $0x1;
	s10 =	sld [smem:$0x3FB8]  }
0x3d: {  	_ =	shalt  }
0x3e: {  	_ =	shalt  }
0x3f: {  	_ =	shalt  }
0x40: {  	_ =	shalt  }
0x41: {  	_ =	shalt  }
0x42: {  	_ =	shalt  }
0x43: {  	_ =	shalt  }
0x44: {  	_ =	shalt  }
0x45: {  	_ =	shalt  }
0x46: {  	_ =	shalt  }
0x47: {  	_ =	shalt  }
0x48: {  	_ =	shalt  }
0x49: {  	_ =	shalt  }
0x4a: {  	_ =	shalt  }
0x4b: {  	_ =	shalt  }
0x4c: {  	_ =	shalt  }
0x4d: {  	_ =	shalt  }
0x4e: {  	_ =	shalt  }
0x4f: {  	_ =	shalt  }
0x50: {  	_ =	shalt  }
0x51: {  	_ =	shalt  }
0x52: {  	_ =	shalt  }
0x53: {  	_ =	shalt  }
0x54: {  	_ =	shalt  }
0x55: {  	_ =	shalt  }
0x56: {  	_ =	shalt  }
0x57: {  	_ =	shalt  }
0x58: {  	_ =	shalt  }
0x59: {  	_ =	shalt  }
0x5a: {  	_ =	shalt  }
0x5b: {  	_ =	shalt  }
0x5c: {  	_ =	shalt  }
0x5d: {  	_ =	shalt  }
0x5e: {  	_ =	shalt  }
0x5f: {  	_ =	shalt  }
0x60: {  	_ =	shalt  }
0x61: {  	_ =	shalt  }
0x62: {  	_ =	shalt  }
0x63: {  	_ =	shalt  }
0x64: {  	_ =	shalt  }
0x65: {  	_ =	shalt  }
0x66: {  	_ =	shalt  }
0x67: {  	_ =	shalt  }
0x68: {  	_ =	shalt  }
0x69: {  	_ =	shalt  }
0x6a: {  	_ =	shalt  }
0x6b: {  	_ =	shalt  }
0x6c: {  	_ =	shalt  }
0x6d: {  	_ =	shalt  }
0x6e: {  	_ =	shalt  }
0x6f: {  	_ =	shalt  }
0x70: {  	_ =	shalt  }
0x71: {  	_ =	shalt  }
0x72: {  	_ =	shalt  }
0x73: {  	_ =	shalt  }
0x74: {  	_ =	shalt  }
0x75: {  	_ =	shalt  }
0x76: {  	_ =	shalt  }
0x77: {  	_ =	shalt  }
0x78: {  	_ =	shalt  }
0x79: {  	_ =	shalt  }
0x7a: {  	_ =	shalt  }
0x7b: {  	_ =	shalt  }
0x7c: {  	_ =	shalt  }
0x7d: {  	_ =	shalt  }
0x7e: {  	_ =	shalt  }
0x7f: {  	_ =	shalt  }
0x80: {  	_ =	shalt  }
0x81: {  	_ =	shalt  }
0x82: {  	_ =	shalt  }
0x83: {  	_ =	shalt  }
0x84: {  	_ =	shalt  }
0x85: {  	_ =	shalt  }
0x86: {  	_ =	shalt  }
0x87: {  	_ =	shalt  }
.Lfunc_end0:
.L_simem_size_0:
called_computation_lowered:
.L_overlay_start_0:
0x88: {  	s2 =	sld [smem:$0x3FD9]  }
0x89: {  	s3 =	sld [smem:$0x3FFE];
	_ =	sdelay $0x1  }
0x8a: {  	s1 =	srdreg.scid  }
0x8b: {  	s0 =	sand.u32 $0x1, s1  }
0x8c: {  	s17 =	sshll.u32 s0, $0xA;
	s2 =	sadd.s32 s3, s2  }
0x8d: {  	s2 =	sadd.s32 s2, s17  }
0x8e: {  	[smem:$0x3FC4] =	sst s2  }
0x8f: {  	_ = 	snop  }
0x90: {  	s2 =	sld [smem:$0x3FD0];
	(tm) =	ssettm $0x1  }
0x91: {  	s18 =	sld [smem:$0x3FFB];
	_ =	sdelay $0x3  }
0x92: {  	_ =	strace s18  }
0x93: {  	s3 =	sld [smem:$0x3FFC];
	_ =	sdelay $0x3  }
0x94: {  	_ =	strace s3  }
0x95: {  	s3 =	sld [smem:$0x3FFD];
	_ =	sdelay $0x3  }
0x96: {  	_ =	strace s3  }
0x97: {  	_ =	strace $0x8FFFFFFF  }
0x98: {  	s19 =	sld [smem:$0x3FDB];
	_ =	sdelay $0x1  }
0x99: {  	s4 =	simm.s32 $_scs_section_size  }
0x9a: {  	s5 =	simm.s32 $_size__tile_overlayer_lowered;
	s6 =	simm.s32 $_tile_overlayer_lowered  }
0x9b: {  	s22 =	simm.s32 $0x1BFF;
	s21 =	sshll.u32 s6, $0x1;
	s3 =	sadd.s32 s4, s19  }
0x9c: {  	s7 =	simm.s32 $0x0;
	s20 =	sshll.u32 s5, $0x1;
	s5 =	sadd.s32 s21, s3  }
0x9d: {  	[timem:s7], [sflag:s22] =	dma.local [hbm:s5], s20  }
0x9e: {  	_ =	swait.ge [sflag:s22], s20  }
0x9f: {  	s4 =	ssub.s32 $0x0, s20;
	[sflag:s22] =	ssyncset.done $0x0  }
0xa0: {  	[sflag:s22] =	ssyncadd.s32 s4;
	_ =	sdelay $0x1  }
0xa1: {  	s23 =	simm.s32 $0x1B8B  }
0xa2: {  	_ =	swait.ge [sflag:s23], $0x1  }
0xa3: {  	[sflag:s23] =	ssyncset.done $0x0  }
0xa4: {  	s25 =	simm.s32 $0x1B8E;
	s24 =	sld [smem:$0x3FFE];
	[sflag:s23] =	ssyncadd.s32 $0xFFFFFFFF  }
0xa5: {  	s26 =	simm.s32 $execute0_lowered;
	[smem:$0x3FD2] =	sst s25  }
0xa6: {  	s5 =	sshll.u32 s26, $0x1;
	_ =	strace $0x80000046;
	[dreg:$0x1] =	wrdreg $0xFFFFFFFF  }
0xa7: {  	s28 =	simm.s32 $_size_execute0_lowered;
	s3 =	sadd.s32 s3, s5;
	[dreg:$0x0] =	wrdreg $0x0  }
0xa8: {  	s5 =	sshll.u32 s28, $0x1;
	[dreg:$0x2] =	wrdreg s3  }
0xa9: {  	[dreg:$0x3] =	wrdreg s5  }
0xaa: {  	[dreg:$0x4] =	wrdreg $0xC0  }
0xab: {  	_ =	task [dreg:s7], $0x5FFFF  }
0xac: {  	[dreg:$0x1] =	wrdreg $0xFFFFFFFF  }
0xad: {  	[dreg:$0x0] =	wrdreg $0x60  }
0xae: {  	[dreg:$0x2] =	wrdreg s24  }
0xaf: {  	[dreg:$0x3] =	wrdreg s2  }
0xb0: {  	[dreg:$0x4] =	wrdreg $0x9  }
0xb1: {  	_ =	task.clear_ibuf [dreg:s7], $0x5FFFF;
	_ =	strace $0x90000046  }
0xb2: {  	s29 =	simm.s32 $0x9;
	_ =	strace $0x80000048  }
0xb3: {  	_ =	swait.ge [sflag:s29], $0x1  }
0xb4: {  	[sflag:s29] =	ssyncadd.s32 $0xFFFFFFFF  }
0xb5: {  	_ =	strace $0x90000048  }
0xb6: {  	_ =	sfence  }
0xb7: {  	s30 =	sld [smem:$0x0];
	_ =	sdelay $0x2  }
0xb8: {  	s31 =	sshll.u32 s1, $0xD;
	s1 =	sshrl.u32 s1, $0x2  }
0xb9: {  	s3 =	sand.u32 $0x4000, s31;
	s1 =	sadd.s32 s1, s30  }
0xba: {  	s0 =	sor.u32 s3, s0;
	s1 =	sshll.u32 s1, $0x11  }
0xbb: {  	s0 =	sor.u32 s1, s0  }
0xbc: {  	s0 =	sadd.s32 $0x8F2B, s0  }
0xbd: {  	[sflag:s0] =	ssyncadd.remote.s32 $0x1  }
0xbe: {  	_ =	sfence.sel $0xFFFF  }
0xbf: {  	[dreg:$0x0] =	wrdreg $0xFFFFFFFF;
	(pc) =	sbr.abs _section_cstart, $3  }
0xc0: {  	[dreg:$0x1] =	wrdreg $0xFFFFFFFF  }
0xc1: {  	_ =	task.clear_ibuf [dreg:s7], $0x2FFFF;
	_ =	strace $0x9FFFFFFF  }
0xc2: {  	(tm) =	ssettm $0x7FFFFFFF  }
0xc3: {  	_ =	shalt  }
tec
execute0_lowered:
.L_overlay_start_1:
0x0: {  	(tag) =	ssettag $0x1  }
0x1: {  	s1 =	srdreg.scid;
	s4 =	rddreg [dreg:$0x0]  }
0x2: {  	s0 =	stileid.u32;
	s6 =	rddreg [dreg:$0x1]  }
0x3: {  	s2 =	simm.s32 $0x0;
	s9 =	simm.s32 $0x2;
	s10 =	simm.s32 $0x6400  }
0x4: {  	s11 =	simm.s32 $0x1;
	s12 =	simm.s32 $0xC800;
	s13 =	simm.s32 $0x0  }
0x5: {  	s16 =	simm.s32 $0x0;
	s3 =	sand.u32 $0x1, s1;
	s28 =	sshll.u32 s0, $0x1  }
0x6: {  	s29 =	sshrl.u32 s0, $0x2;
	s1 =	rddreg [dreg:$0x2];
	s5 =	sor.u32 s3, s28  }
0x7: {  	[smem:$0x7FF] =	sst s2;
	s7 =	smul.u32 $0x32000, s29;
	s8 =	sshll.u32 s5, $0x7  }
0x8: {  	_ =	strace $0x80000047;
	s30 =	ssub.s32 $0x2, s3;
	s8 =	sand.u32 $0x380, s8  }
0x9: {  	s3 =	sadd.s32 $0xA00, s4;
	s31 =	sshrl.u32 s30, $0x1;
	s7 =	sor.u32 s7, s8  }
0xa: {  	s5 =	sshll.u32 s5, $0x4;
	s8 =	ssub.s32 s30, s31;
	s7 =	sshrl.u32 s7, $0x3  }
0xb: {  	s5 =	sadd.s32 s6, s5;
	s6 =	smax.u32 s8, $0x1;
	s7 =	sadd.s32 s7, s4  }
0xc: {  	s8 =	simm.s32 $0x400;
	s4 =	sadd.s32 $0xF42E00, s7;
	s7 =	simm.s32 $0x80  }
.LBB2_1:
0xd: {  	[tilespmem:s2], [sflag:$0x2] =	stream.strided.gather [hbm4b:s4+s7], $0x6400, s8, s7, $0x38;
	[tilespmem:$0xC880] =	vst v63  }
0xe: {  	_ =	swait.ge [sflag:s9], $0x6400  }
0xf: {  	[sflag:s9] =	ssyncset.done $0x0  }
0x10: {  	[sflag:s9] =	ssyncadd.s32 $0xFFFF9C00  }
0x11: {  	[tilespmem:s10], [sflag:$0x1] =	stream.indirect.gather [hbm4b:s3+s10], $0x1, s2, s10, $0xb8;
	[tilespmem:$0xC880] =	vst v63  }
0x12: {  	_ =	swait.ge [sflag:s11], $0x6400  }
0x13: {  	[sflag:s11] =	ssyncset.done $0x0  }
0x14: {  	[sflag:s11] =	ssyncadd.s32 $0xFFFF9C00  }
0x15: {  	v0 =	vld [tilespmem:s16+$0x6470]  }
0x16: {  	v1 =	vld [tilespmem:s16+$0x6400]  }
0x17: {  	v2 =	vld [tilespmem:s16+$0x6410]  }
0x18: {  	v10 =	vld [tilespmem:s16+$0x6420]  }
0x19: {  	v8 =	vld [tilespmem:s16+$0x6430]  }
0x1a: {  	v9 =	vimm.f32 $0.0e+00;
	v7 =	vimm.f32 $0.0e+00;
	v5 =	vld [tilespmem:s16+$0x6440]  }
0x1b: {  	v6 =	vimm.f32 $0.0e+00;
	v3 =	vimm.f32 $0.0e+00;
	v4 =	vld [tilespmem:s16+$0x6450];
	v0 =	vadd.f32 v0, v9  }
0x1c: {  	s14 =	simm.s32 $0x80;
	s15 =	simm.s32 $0x400;
	v12 =	vadd.f32 v1, v9;
	v11 =	vadd.f32 v2, v9;
	v2 =	vld [tilespmem:s16+$0x6460];
	v1 =	vimm.f32 $0.0e+00  }
.LBB2_2:
0x1d: {  	p0 =	sne.s32 s15, $0x18E00;
	v13 =	vld [tilespmem:s14+$0x6470];
	v9 =	vadd.f32 v10, v9  }
0x1e: {  	v14 =	vld [tilespmem:s14+$0x6400];
	v7 =	vadd.f32 v8, v7  }
0x1f: {  	v15 =	vld [tilespmem:s14+$0x6410];
	v6 =	vadd.f32 v5, v6  }
.Ltmp0:
0x20: {  	v10 =	vld [tilespmem:s14+$0x6420];
	v3 =	vadd.f32 v4, v3;
	(pc) =	sbr.rel @p0 .LBB2_2-.Ltmp0, $4  }
0x21: {  	v8 =	vld [tilespmem:s14+$0x6430];
	v1 =	vadd.f32 v2, v1  }
0x22: {  	v5 =	vld [tilespmem:s14+$0x6440];
	v0 =	vadd.f32 v13, v0  }
0x23: {  	v12 =	vadd.f32 v14, v12;
	v4 =	vld [tilespmem:s14+$0x6450]  }
0x24: {  	v11 =	vadd.f32 v15, v11;
	v2 =	vld [tilespmem:s14+$0x6460];
	s14 =	sshra.s32 s15, $0x2;
	s15 =	sadd.s32 $0x200, s15  }
0x25: {  	v13 =	vld [tilespmem:s14+$0x6400];
	_ =	sdelay $0x4  }
0x26: {  	v12 =	vadd.f32 v13, v12;
	_ =	sdelay $0x1  }
0x27: {  	v12 =	vmul.f32 $4.999999890e-03, v12;
	_ =	sdelay $0x1  }
0x28: {  	v12 =	vsub.f32 $0.0e+00, v12;
	_ =	sdelay $0x1  }
0x29: {  	v12 =	vmul.f32 $1.442695020e+00, v12;
	_ =	sdelay $0x1  }
0x2a: {  	v47 =	vld [tilespmem:s14+$0x6410];
	(erf) = vpow2.f32 v12;
	_ =	sdelay $0x4  }
0x2b: {  	v11 =	vadd.f32 v47, v11;
	_ =	sdelay $0x1  }
0x2c: {  	v11 =	vmul.f32 $4.999999890e-03, v11;
	_ =	sdelay $0x1  }
0x2d: {  	v11 =	vsub.f32 $0.0e+00, v11;
	v12 =	vpop (erf)  }
0x2e: {  	v12 =	vadd.f32 $1.000000000e+00, v12  }
0x2f: {  	v11 =	vmul.f32 $1.442695020e+00, v11  }
0x30: {  	(erf) = vrcp.f32 v12  }
0x31: {  	v48 =	vld [tilespmem:s14+$0x6420];
	(erf) = vpow2.f32 v11;
	_ =	sdelay $0x2  }
0x32: {  	v9 =	vadd.f32 v10, v9;
	_ =	sdelay $0x1  }
0x33: {  	v9 =	vadd.f32 v48, v9;
	_ =	sdelay $0x1  }
0x34: {  	v9 =	vmul.f32 $4.999999890e-03, v9  }
0x35: {  	v49 =	vpop (erf)  }
0x36: {  	v9 =	vsub.f32 $0.0e+00, v9;
	v11 =	vpop (erf)  }
0x37: {  	v11 =	vadd.f32 $1.000000000e+00, v11  }
0x38: {  	v9 =	vmul.f32 $1.442695020e+00, v9  }
0x39: {  	(erf) = vrcp.f32 v11  }
0x3a: {  	v50 =	vld [tilespmem:s14+$0x6430];
	(erf) = vpow2.f32 v9;
	_ =	sdelay $0x2  }
0x3b: {  	v7 =	vadd.f32 v8, v7;
	_ =	sdelay $0x1  }
0x3c: {  	v7 =	vadd.f32 v50, v7;
	_ =	sdelay $0x1  }
0x3d: {  	v7 =	vmul.f32 $4.999999890e-03, v7  }
0x3e: {  	v51 =	vpop (erf)  }
0x3f: {  	v7 =	vsub.f32 $0.0e+00, v7;
	v9 =	vpop (erf)  }
0x40: {  	v9 =	vadd.f32 $1.000000000e+00, v9  }
0x41: {  	v7 =	vmul.f32 $1.442695020e+00, v7  }
0x42: {  	(erf) = vrcp.f32 v9  }
0x43: {  	v52 =	vld [tilespmem:s14+$0x6440];
	(erf) = vpow2.f32 v7;
	_ =	sdelay $0x2  }
0x44: {  	v5 =	vadd.f32 v5, v6;
	_ =	sdelay $0x1  }
0x45: {  	v5 =	vadd.f32 v52, v5;
	_ =	sdelay $0x1  }
0x46: {  	v5 =	vmul.f32 $4.999999890e-03, v5  }
0x47: {  	v53 =	vpop (erf)  }
0x48: {  	v5 =	vsub.f32 $0.0e+00, v5;
	v7 =	vpop (erf)  }
0x49: {  	v7 =	vadd.f32 $1.000000000e+00, v7  }
0x4a: {  	v5 =	vmul.f32 $1.442695020e+00, v5  }
0x4b: {  	(erf) = vrcp.f32 v7  }
0x4c: {  	v54 =	vld [tilespmem:s14+$0x6450];
	(erf) = vpow2.f32 v5;
	_ =	sdelay $0x2  }
0x4d: {  	v3 =	vadd.f32 v4, v3;
	_ =	sdelay $0x1  }
0x4e: {  	v3 =	vadd.f32 v54, v3;
	_ =	sdelay $0x1  }
0x4f: {  	v3 =	vmul.f32 $4.999999890e-03, v3  }
0x50: {  	v55 =	vpop (erf)  }
0x51: {  	v3 =	vsub.f32 $0.0e+00, v3;
	v5 =	vpop (erf)  }
0x52: {  	v5 =	vadd.f32 $1.000000000e+00, v5  }
0x53: {  	v3 =	vmul.f32 $1.442695020e+00, v3  }
0x54: {  	(erf) = vrcp.f32 v5  }
0x55: {  	v56 =	vld [tilespmem:s14+$0x6460];
	(erf) = vpow2.f32 v3;
	_ =	sdelay $0x2  }
0x56: {  	v1 =	vadd.f32 v2, v1;
	_ =	sdelay $0x1  }
0x57: {  	v1 =	vadd.f32 v56, v1;
	_ =	sdelay $0x1  }
0x58: {  	v1 =	vmul.f32 $4.999999890e-03, v1  }
0x59: {  	v57 =	vpop (erf)  }
0x5a: {  	v1 =	vsub.f32 $0.0e+00, v1;
	v3 =	vpop (erf)  }
0x5b: {  	v3 =	vadd.f32 $1.000000000e+00, v3  }
0x5c: {  	v1 =	vmul.f32 $1.442695020e+00, v1  }
0x5d: {  	(erf) = vrcp.f32 v3  }
0x5e: {  	v58 =	vld [tilespmem:s14+$0x6470];
	(erf) = vpow2.f32 v1;
	_ =	sdelay $0x4  }
0x5f: {  	v0 =	vadd.f32 v58, v0;
	_ =	sdelay $0x1  }
0x60: {  	v0 =	vmul.f32 $4.999999890e-03, v0  }
0x61: {  	v59 =	vpop (erf)  }
0x62: {  	v0 =	vsub.f32 $0.0e+00, v0;
	v60 =	vpop (erf)  }
0x63: {  	v3 =	vadd.f32 $1.000000000e+00, v60  }
0x64: {  	v0 =	vmul.f32 $1.442695020e+00, v0  }
0x65: {  	(erf) = vrcp.f32 v3  }
0x66: {  	(erf) = vpow2.f32 v0;
	_ =	sdelay $0x7  }
0x67: {  	v61 =	vpop (erf)  }
0x68: {  	v62 =	vpop (erf)  }
0x69: {  	v3 =	vadd.f32 $1.000000000e+00, v62;
	_ =	sdelay $0x1  }
0x6a: {  	(erf) = vrcp.f32 v3;
	_ =	sdelay $0x2  }
0x6b: {  	[tilespmem:$0xC800] =	vst v49  }
0x6c: {  	[tilespmem:$0xC810] =	vst v51  }
0x6d: {  	[tilespmem:$0xC820] =	vst v53  }
0x6e: {  	[tilespmem:$0xC830] =	vst v55  }
0x6f: {  	[tilespmem:$0xC840] =	vst v57  }
0x70: {  	s13 =	sadd.s32 $0x1, s13;
	[tilespmem:$0xC850] =	vst v59  }
0x71: {  	p0 =	sne.s32 s13, s6;
	[tilespmem:$0xC860] =	vst v61;
	v63 =	vpop (erf)  }
.Ltmp1:
0x72: {  	[tilespmem:$0xC870] =	vst v63;
	(pc) =	sbr.rel @p0 .LBB2_1-.Ltmp1, $4  }
0x73: {  	[hbm4b:s5+s2] =	stream.linear.scatter [tilespmem:s12], [sflag:$0x2], $0x80, $0x38;
	[tilespmem:$0xC880] =	vst v63  }
0x74: {  	_ =	swait.ge [sflag:s9], $0x80  }
0x75: {  	[sflag:s9] =	ssyncset.done $0x0  }
0x76: {  	[sflag:s9] =	ssyncadd.s32 $0xFFFFFF80  }
0x77: {  	_ =	sfence.sel $0x180000  }
0x78: {  	[bflag:$0x0] =	sbarrier.arrive $0xFFFF  }
0x79: {  	p0 =	sne.s32 s0, $0x0;
	_ =	strace $0x90000047  }
0x7a: {  	s0 =	sadd.s32 @!p0 $0x100000, s1;
	[bflag:$0x2] =	sbarrier.arrive $0xFFFF  }
0x7b: {  	[sflag:s0] =	ssyncadd.tile.s32 @!p0 $0x1;
	_ =	shalt  }
.Lfunc_end2:
_tile_overlayer_lowered:
.L_overlay_start_2:
0x7c: {  	(tag) =	ssettag $0x2  }
0x7d: {  	s0 =	rddreg [dreg:$0x0];
	s2 =	stileid.u32  }
0x7e: {  	s1 =	rddreg [dreg:$0x1];
	p0 =	sne.s32 s2, $0x0  }
0x7f: {  	s3 =	rddreg [dreg:$0x2];
	[bflag:$0x3] =	sbarrier.arrive $0xFFFF;
	s2 =	simm.s32 @!p0 $0x1C02  }
0x80: {  	[timem:s3], [sflag:s2] =	dma.local @!p0 [hbm:s0], s1  }
0x81: {  	s0 =	simm.s32 @!p0 $0x2  }
0x82: {  	_ =	swait.ge @!p0 [sflag:s0], s1  }
0x83: {  	s1 =	ssub.s32 @!p0 $0x0, s1;
	[sflag:s0] =	ssyncset.done @!p0 $0x0  }
0x84: {  	[sflag:s0] =	ssyncadd.s32 @!p0 s1  }
0x85: {  	[bflag:$0x3] =	sbarrier.arrive $0xFFFF  }
0x86: {  	_ =	shalt  }

</sc_bundles>
